<compile_context>
chip_gen: v7x
topology: tpu7x:2x2x1
jax: 0.10.2.dev20260603
libtpu: 0.0.44.dev20260713+nightly
codegen_flags: <defaults>
</compile_context>

<pallas_src>
import jax
import jax.numpy as jnp
from jax import lax
from jax.experimental import pallas as pl
from jax.experimental.pallas import tpu as pltpu


def _conv_body(featp_ref, w1_ref, b1_ref, w2_ref, b2_ref, logit_ref):
    C = featp_ref.shape[1]
    CM = w1_ref.shape[1]
    HW = logit_ref.shape[2]
    W = 64
    PAD = 128
    TN = 512
    EXT = TN + 2 * PAD
    x = lax.broadcasted_iota(jnp.int32, (1, TN), 1) % W
    m_l = (x != 0).astype(jnp.float32)
    m_r = (x != W - 1).astype(jnp.float32)
    masks = (m_l, None, m_r)

    GROUPS = ((0, 1), (1, 2), (2, 3), (3, 4), (4, 6), (6, 7), (7, 8),
              (8, 10), (10, 11), (11, 12), (12, 14), (14, 15), (15, 16),
              (16, 17), (17, 18), (18, 19), (19, 21), (21, 22), (22, 23),
              (23, 25), (25, 26), (26, 27))

    def tile_body(t, _):
        n0 = t * TN
        ext = featp_ref[0, :, pl.ds(pl.multiple_of(n0, 128), EXT)]
        bts = []
        for dyi, dy in enumerate((-1, 0, 1)):
            for dxi, dx in enumerate((-1, 0, 1)):
                s = dy * W + dx
                btile = lax.slice(ext, (0, PAD + s), (C, PAD + s + TN))
                m = masks[dxi]
                bts.append(btile if m is None else btile * m)

        def pass_dot(a):
            tap, chunk = a // 3, a % 3
            wv = w1_ref[tap, :, pl.ds(chunk * 256, 256)].astype(jnp.bfloat16)
            bv = lax.slice(bts[tap], (chunk * 256, 0), (chunk * 256 + 256, TN)).astype(jnp.bfloat16)
            return lax.dot_general(
                wv, bv, (((1,), (0,)), ((), ())),
                preferred_element_type=jnp.float32,
            )

        acc = None
        for lo, hi in GROUPS:
            g = pass_dot(lo)
            for a in range(lo + 1, hi):
                g = g + pass_dot(a)
            acc = g if acc is None else acc + g
        h = jnp.maximum(acc + b1_ref[...], 0.0)
        logit = lax.dot_general(
            w2_ref[...].astype(jnp.bfloat16), h.astype(jnp.bfloat16),
            (((1,), (0,)), ((), ())),
            preferred_element_type=jnp.float32,
        ) + b2_ref[0, 0]
        logit_ref[0, :, pl.ds(n0, TN)] = logit
        return 0

    lax.fori_loop(0, HW // TN, tile_body, 0)


def _topk_body(sc_ref, idx_ref, uu_ref, vv_ref):
    B, HW = sc_ref.shape
    W = 64
    K = idx_ref.shape[1]
    scores = sc_ref[...]
    iota = lax.broadcasted_iota(jnp.int32, (B, HW), 1)
    iota_k = lax.broadcasted_iota(jnp.int32, (B, K), 1)

    def body(t, carry):
        sc, acc = carry
        m = jnp.max(sc, axis=1, keepdims=True)
        cand = jnp.where(sc == m, iota, HW)
        idx = jnp.min(cand, axis=1, keepdims=True)
        acc = jnp.where(iota_k == t, idx, acc)
        return jnp.where(iota == idx, -jnp.inf, sc), acc

    _, idx = lax.fori_loop(0, K, body, (scores, jnp.zeros((B, K), jnp.int32)))
    idx_ref[...] = idx
    uu_ref[...] = (idx % W).astype(jnp.float32) / W
    vv_ref[...] = (idx // W).astype(jnp.float32) / W


def kernel(feat, W1, b1, W2, b2, num_anchors):
    B, C, H, W = feat.shape
    CM = W1.shape[0]
    HW = H * W
    PAD = 128
    K = 256

    featp = jnp.pad(feat.reshape(B, C, HW), ((0, 0), (0, 0), (PAD, PAD)))
    w1r = W1.transpose(2, 3, 0, 1).reshape(9, CM, C)
    b1r = b1.reshape(CM, 1)
    w2r = W2.reshape(1, CM)
    b2r = b2.reshape(1, 1)

    logits = pl.pallas_call(
        _conv_body,
        grid=(B,),
        in_specs=[
            pl.BlockSpec((1, C, HW + 2 * PAD), lambda b: (b, 0, 0)),
            pl.BlockSpec((9, CM, C), lambda b: (0, 0, 0)),
            pl.BlockSpec((CM, 1), lambda b: (0, 0)),
            pl.BlockSpec((1, CM), lambda b: (0, 0)),
            pl.BlockSpec((1, 1), lambda b: (0, 0)),
        ],
        out_specs=pl.BlockSpec((1, 1, HW), lambda b: (b, 0, 0)),
        out_shape=jax.ShapeDtypeStruct((B, 1, HW), jnp.float32),
    )(featp, w1r, b1r, w2r, b2r)

    heatmap = jax.nn.softplus(logits.reshape(B, 1, H, W))
    prob = heatmap.reshape(B, -1)
    prob = prob / (prob.sum(axis=1, keepdims=True) + 1e-06)
    gkey = jax.random.key(42)
    u = jax.random.uniform(gkey, prob.shape, minval=1e-10, maxval=1.0)
    gumbel = -jnp.log(-jnp.log(u))
    scores = jnp.log(prob + 1e-20) + gumbel

    idx, uu, vv = pl.pallas_call(
        _topk_body,
        out_shape=(
            jax.ShapeDtypeStruct((B, K), jnp.int32),
            jax.ShapeDtypeStruct((B, K), jnp.float32),
            jax.ShapeDtypeStruct((B, K), jnp.float32),
        ),
    )(scores)

    anchors = jnp.stack([uu, vv], axis=-1)
    return anchors, heatmap

# --- scband reference (transcript-rebuilt; emitter-appended) ---
"""Pipeline reference for scband-learnable-anchor-generator-74208444940807 (READ-ONLY COPY).

The authoritative reference and input builder live on the scoring server;
editing this copy changes nothing except your own understanding.
"""

import jax, jax.numpy as jnp
import numpy as np
from jax import lax


def setup_inputs(seed: int = 0) -> dict:
    key = jax.random.key(seed)
    k1, k2, k3 = jax.random.split(key, 3)
    feat = jax.random.normal(k1, (8, 768, 64, 64), dtype=jnp.float32)
    # score_net params: Conv2d(768 -> 384, 3x3, pad 1), ReLU, Conv2d(384 -> 1, 1x1)
    W1 = jax.random.normal(k2, (384, 768, 3, 3), dtype=jnp.float32) * 0.02
    b1 = jnp.zeros((384,), dtype=jnp.float32)
    W2 = jax.random.normal(k3, (1, 384, 1, 1), dtype=jnp.float32) * 0.02
    b2 = jnp.zeros((1,), dtype=jnp.float32)
    return {"feat": feat, "W1": W1, "b1": b1, "W2": W2, "b2": b2, "num_anchors": 256}


def reference(feat, W1, b1, W2, b2, num_anchors):
    B, C, H, W = feat.shape
    dn = ("NCHW", "OIHW", "NCHW")
    h = lax.conv_general_dilated(feat, W1, (1, 1), "SAME", dimension_numbers=dn)
    h = h + b1[None, :, None, None]
    h = jax.nn.relu(h)
    heatmap = lax.conv_general_dilated(h, W2, (1, 1), "SAME", dimension_numbers=dn)
    heatmap = heatmap + b2[None, :, None, None]
    heatmap = jax.nn.softplus(heatmap)
    prob = heatmap.reshape(B, -1)
    prob = prob / (prob.sum(axis=1, keepdims=True) + 1e-06)
    # torch.multinomial(prob, k, replacement=False) == Gumbel top-k on log-probs
    gkey = jax.random.key(42)
    u = jax.random.uniform(gkey, prob.shape, minval=1e-10, maxval=1.0)
    gumbel = -jnp.log(-jnp.log(u))
    scores = jnp.log(prob + 1e-20) + gumbel
    _, idx = lax.top_k(scores, 256)
    idx = idx + jnp.asarray(num_anchors - num_anchors, dtype=idx.dtype)
    uu = (idx % W).astype(jnp.float32) / W
    vv = (idx // W).astype(jnp.float32) / H
    anchors = jnp.stack([uu, vv], axis=-1)
    return anchors, heatmap

if __name__ == "__main__":
    import jax
    _d = setup_inputs()
    print(jax.jit(kernel)(*tuple(_d.values())))

</pallas_src>

<mosaic_0001>
module attributes {stable_mosaic.version = 14 : i64} {
  func.func @_conv_body(%arg0: i32, %arg1: memref<1x768x4352xf32, #tpu.memory_space<vmem>>, %arg2: memref<9x384x768xf32, #tpu.memory_space<vmem>>, %arg3: memref<384x1xf32, #tpu.memory_space<vmem>>, %arg4: memref<1x384xf32, #tpu.memory_space<vmem>>, %arg5: memref<1x1xf32, #tpu.memory_space<vmem>>, %arg6: memref<1x1x4096xf32, #tpu.memory_space<vmem>>) attributes {dimension_semantics = [#tpu.dimension_semantics<arbitrary>], iteration_bounds = array<i64: 8>, scalar_prefetch = 0 : i64, scratch_operands = 0 : i64, tpu.core_type = #tpu.core_type<tc>, window_params = [{transform_indices = @transform_0, window_bounds = array<i64: 1, 768, 4352>}, {pipeline_mode = #tpu.pipeline_mode<synchronous>, transform_indices = @transform_1, window_bounds = array<i64: 9, 384, 768>}, {pipeline_mode = #tpu.pipeline_mode<synchronous>, transform_indices = @transform_2, window_bounds = array<i64: 384, 1>}, {pipeline_mode = #tpu.pipeline_mode<synchronous>, transform_indices = @transform_3, window_bounds = array<i64: 1, 384>}, {pipeline_mode = #tpu.pipeline_mode<synchronous>, transform_indices = @transform_4, window_bounds = array<i64: 1, 1>}, {transform_indices = @transform_5, window_bounds = array<i64: 1, 1, 4096>}]} {
    %iota3A = tpu.iota {dimensions = array<i32: 1>} : vector<1x512xi32>
    %jit3A = arith.constant 64 : i32
    %eq3A = arith.constant 0 : i32
    %eq3A_0 = arith.cmpi eq, %jit3A, %eq3A : i32
    %jit3A_1 = arith.constant 1 : i32
    %select_n3A = arith.select %eq3A_0, %jit3A_1, %jit3A : i32
    %rem3A = vector.broadcast %select_n3A : i32 to vector<1x512xi32>
    %rem3A_2 = arith.remsi %iota3A, %rem3A : vector<1x512xi32>
    %ne3A = arith.constant 0 : i32
    %ne3A_3 = vector.broadcast %ne3A : i32 to vector<1x512xi32>
    %ne3A_4 = arith.cmpi ne, %rem3A_2, %ne3A_3 : vector<1x512xi32>
    %lt3A = arith.constant 0 : i32
    %lt3A_5 = vector.broadcast %lt3A : i32 to vector<1x512xi32>
    %lt3A_6 = arith.cmpi slt, %rem3A_2, %lt3A_5 : vector<1x512xi32>
    %lt3A_7 = arith.constant 0 : i32
    %lt3A_8 = arith.cmpi slt, %select_n3A, %lt3A_7 : i32
    %ne3A_9 = vector.broadcast %lt3A_8 : i1 to vector<1x512xi1>
    %ne3A_10 = vector.broadcast %ne3A_9 : vector<1x512xi1> to vector<1x512xi1>
    %ne3A_11 = arith.xori %lt3A_6, %ne3A_10 : vector<1x512xi1>
    %and3A = arith.andi %ne3A_11, %ne3A_4 : vector<1x512xi1>
    %add3A = vector.broadcast %select_n3A : i32 to vector<1x512xi32>
    %add3A_12 = arith.addi %rem3A_2, %add3A : vector<1x512xi32>
    %select_n3A_13 = arith.select %and3A, %add3A_12, %rem3A_2 : vector<1x512xi1>, vector<1x512xi32>
    %ne3A_14 = arith.constant 0 : i32
    %ne3A_15 = vector.broadcast %ne3A_14 : i32 to vector<1x512xi32>
    %ne3A_16 = arith.cmpi ne, %select_n3A_13, %ne3A_15 : vector<1x512xi32>
    %convert_element_type3A = arith.extui %ne3A_16 : vector<1x512xi1> to vector<1x512xi32>
    %convert_element_type3A_17 = arith.sitofp %convert_element_type3A : vector<1x512xi32> to vector<1x512xf32>
    %ne3A_18 = arith.constant 63 : i32
    %ne3A_19 = vector.broadcast %ne3A_18 : i32 to vector<1x512xi32>
    %ne3A_20 = arith.cmpi ne, %select_n3A_13, %ne3A_19 : vector<1x512xi32>
    %convert_element_type3A_21 = arith.extui %ne3A_20 : vector<1x512xi1> to vector<1x512xi32>
    %convert_element_type3A_22 = arith.sitofp %convert_element_type3A_21 : vector<1x512xi32> to vector<1x512xf32>
    %scan3A = arith.constant 0 : i32
    %scan3A_23 = arith.constant 8 : i32
    %scan3A_24 = arith.addi %scan3A, %scan3A_23 : i32
    %scan3A_25 = arith.constant 1 : i32
    scf.for %scan3A_27 = %scan3A to %scan3A_24 step %scan3A_25  : i32 {
      %mul3A = arith.constant 512 : i32
      %mul3A_28 = arith.muli %scan3A_27, %mul3A : i32
      %multiple_of3A = tpu.assume_multiple %mul3A_28, 128 : i32
      %get3A = arith.constant 0 : index
      %get3A_29 = arith.constant 0 : index
      %get3A_30 = arith.index_cast %multiple_of3A : i32 to index
      %get3A_31 = vector.load %arg1[%get3A, %get3A_29, %get3A_30] : memref<1x768x4352xf32, #tpu.memory_space<vmem>>, vector<1x768x768xf32>
      %get3A_32 = vector.shape_cast %get3A_31 : vector<1x768x768xf32> to vector<768x768xf32>
      %slice3A = vector.extract_strided_slice %get3A_32 {offsets = [0, 63], sizes = [768, 512], strides = [1, 1]} : vector<768x768xf32> to vector<768x512xf32>
      %mul3A_33 = vector.broadcast %convert_element_type3A_17 : vector<1x512xf32> to vector<768x512xf32>
      %mul3A_34 = arith.mulf %slice3A, %mul3A_33 : vector<768x512xf32>
      %slice3A_35 = vector.extract_strided_slice %get3A_32 {offsets = [0, 64], sizes = [768, 512], strides = [1, 1]} : vector<768x768xf32> to vector<768x512xf32>
      %slice3A_36 = vector.extract_strided_slice %get3A_32 {offsets = [0, 65], sizes = [768, 512], strides = [1, 1]} : vector<768x768xf32> to vector<768x512xf32>
      %mul3A_37 = vector.broadcast %convert_element_type3A_22 : vector<1x512xf32> to vector<768x512xf32>
      %mul3A_38 = arith.mulf %slice3A_36, %mul3A_37 : vector<768x512xf32>
      %slice3A_39 = vector.extract_strided_slice %get3A_32 {offsets = [0, 127], sizes = [768, 512], strides = [1, 1]} : vector<768x768xf32> to vector<768x512xf32>
      %mul3A_40 = vector.broadcast %convert_element_type3A_17 : vector<1x512xf32> to vector<768x512xf32>
      %mul3A_41 = arith.mulf %slice3A_39, %mul3A_40 : vector<768x512xf32>
      %slice3A_42 = vector.extract_strided_slice %get3A_32 {offsets = [0, 128], sizes = [768, 512], strides = [1, 1]} : vector<768x768xf32> to vector<768x512xf32>
      %slice3A_43 = vector.extract_strided_slice %get3A_32 {offsets = [0, 129], sizes = [768, 512], strides = [1, 1]} : vector<768x768xf32> to vector<768x512xf32>
      %mul3A_44 = vector.broadcast %convert_element_type3A_22 : vector<1x512xf32> to vector<768x512xf32>
      %mul3A_45 = arith.mulf %slice3A_43, %mul3A_44 : vector<768x512xf32>
      %slice3A_46 = vector.extract_strided_slice %get3A_32 {offsets = [0, 191], sizes = [768, 512], strides = [1, 1]} : vector<768x768xf32> to vector<768x512xf32>
      %mul3A_47 = vector.broadcast %convert_element_type3A_17 : vector<1x512xf32> to vector<768x512xf32>
      %mul3A_48 = arith.mulf %slice3A_46, %mul3A_47 : vector<768x512xf32>
      %slice3A_49 = vector.extract_strided_slice %get3A_32 {offsets = [0, 192], sizes = [768, 512], strides = [1, 1]} : vector<768x768xf32> to vector<768x512xf32>
      %slice3A_50 = vector.extract_strided_slice %get3A_32 {offsets = [0, 193], sizes = [768, 512], strides = [1, 1]} : vector<768x768xf32> to vector<768x512xf32>
      %mul3A_51 = vector.broadcast %convert_element_type3A_22 : vector<1x512xf32> to vector<768x512xf32>
      %mul3A_52 = arith.mulf %slice3A_50, %mul3A_51 : vector<768x512xf32>
      %get3A_53 = arith.constant 0 : index
      %get3A_54 = arith.constant 0 : index
      %get3A_55 = arith.constant 0 : index
      %get3A_56 = vector.load %arg2[%get3A_53, %get3A_54, %get3A_55] : memref<9x384x768xf32, #tpu.memory_space<vmem>>, vector<1x384x256xf32>
      %get3A_57 = vector.shape_cast %get3A_56 : vector<1x384x256xf32> to vector<384x256xf32>
      %convert_element_type3A_58 = arith.truncf %get3A_57 : vector<384x256xf32> to vector<384x256xbf16>
      %slice3A_59 = vector.extract_strided_slice %mul3A_34 {offsets = [0, 0], sizes = [256, 512], strides = [1, 1]} : vector<768x512xf32> to vector<256x512xf32>
      %convert_element_type3A_60 = arith.truncf %slice3A_59 : vector<256x512xf32> to vector<256x512xbf16>
      %dot_general3A = arith.constant dense<0.000000e+00> : vector<384x512xf32>
      %dot_general3A_61 = tpu.matmul %convert_element_type3A_58, %convert_element_type3A_60, %dot_general3A {dimension_numbers = #tpu.dot_dimension_numbers<[1], [0], [0], [1], [0, 0, 1, 1], [], []>, transpose_lhs_hint = false} : vector<384x256xbf16>, vector<256x512xbf16>, vector<384x512xf32> -> vector<384x512xf32>
      %get3A_62 = arith.constant 0 : index
      %get3A_63 = arith.constant 0 : index
      %get3A_64 = arith.constant 256 : index
      %get3A_65 = vector.load %arg2[%get3A_62, %get3A_63, %get3A_64] : memref<9x384x768xf32, #tpu.memory_space<vmem>>, vector<1x384x256xf32>
      %get3A_66 = vector.shape_cast %get3A_65 : vector<1x384x256xf32> to vector<384x256xf32>
      %convert_element_type3A_67 = arith.truncf %get3A_66 : vector<384x256xf32> to vector<384x256xbf16>
      %slice3A_68 = vector.extract_strided_slice %mul3A_34 {offsets = [256, 0], sizes = [256, 512], strides = [1, 1]} : vector<768x512xf32> to vector<256x512xf32>
      %convert_element_type3A_69 = arith.truncf %slice3A_68 : vector<256x512xf32> to vector<256x512xbf16>
      %dot_general3A_70 = arith.constant dense<0.000000e+00> : vector<384x512xf32>
      %dot_general3A_71 = tpu.matmul %convert_element_type3A_67, %convert_element_type3A_69, %dot_general3A_70 {dimension_numbers = #tpu.dot_dimension_numbers<[1], [0], [0], [1], [0, 0, 1, 1], [], []>, transpose_lhs_hint = false} : vector<384x256xbf16>, vector<256x512xbf16>, vector<384x512xf32> -> vector<384x512xf32>
      %add3A_72 = arith.addf %dot_general3A_61, %dot_general3A_71 : vector<384x512xf32>
      %get3A_73 = arith.constant 0 : index
      %get3A_74 = arith.constant 0 : index
      %get3A_75 = arith.constant 512 : index
      %get3A_76 = vector.load %arg2[%get3A_73, %get3A_74, %get3A_75] : memref<9x384x768xf32, #tpu.memory_space<vmem>>, vector<1x384x256xf32>
      %get3A_77 = vector.shape_cast %get3A_76 : vector<1x384x256xf32> to vector<384x256xf32>
      %convert_element_type3A_78 = arith.truncf %get3A_77 : vector<384x256xf32> to vector<384x256xbf16>
      %slice3A_79 = vector.extract_strided_slice %mul3A_34 {offsets = [512, 0], sizes = [256, 512], strides = [1, 1]} : vector<768x512xf32> to vector<256x512xf32>
      %convert_element_type3A_80 = arith.truncf %slice3A_79 : vector<256x512xf32> to vector<256x512xbf16>
      %dot_general3A_81 = arith.constant dense<0.000000e+00> : vector<384x512xf32>
      %dot_general3A_82 = tpu.matmul %convert_element_type3A_78, %convert_element_type3A_80, %dot_general3A_81 {dimension_numbers = #tpu.dot_dimension_numbers<[1], [0], [0], [1], [0, 0, 1, 1], [], []>, transpose_lhs_hint = false} : vector<384x256xbf16>, vector<256x512xbf16>, vector<384x512xf32> -> vector<384x512xf32>
      %add3A_83 = arith.addf %add3A_72, %dot_general3A_82 : vector<384x512xf32>
      %get3A_84 = arith.constant 1 : index
      %get3A_85 = arith.constant 0 : index
      %get3A_86 = arith.constant 0 : index
      %get3A_87 = vector.load %arg2[%get3A_84, %get3A_85, %get3A_86] : memref<9x384x768xf32, #tpu.memory_space<vmem>>, vector<1x384x256xf32>
      %get3A_88 = vector.shape_cast %get3A_87 : vector<1x384x256xf32> to vector<384x256xf32>
      %convert_element_type3A_89 = arith.truncf %get3A_88 : vector<384x256xf32> to vector<384x256xbf16>
      %slice3A_90 = vector.extract_strided_slice %slice3A_35 {offsets = [0, 0], sizes = [256, 512], strides = [1, 1]} : vector<768x512xf32> to vector<256x512xf32>
      %convert_element_type3A_91 = arith.truncf %slice3A_90 : vector<256x512xf32> to vector<256x512xbf16>
      %dot_general3A_92 = arith.constant dense<0.000000e+00> : vector<384x512xf32>
      %dot_general3A_93 = tpu.matmul %convert_element_type3A_89, %convert_element_type3A_91, %dot_general3A_92 {dimension_numbers = #tpu.dot_dimension_numbers<[1], [0], [0], [1], [0, 0, 1, 1], [], []>, transpose_lhs_hint = false} : vector<384x256xbf16>, vector<256x512xbf16>, vector<384x512xf32> -> vector<384x512xf32>
      %add3A_94 = arith.addf %add3A_83, %dot_general3A_93 : vector<384x512xf32>
      %get3A_95 = arith.constant 1 : index
      %get3A_96 = arith.constant 0 : index
      %get3A_97 = arith.constant 256 : index
      %get3A_98 = vector.load %arg2[%get3A_95, %get3A_96, %get3A_97] : memref<9x384x768xf32, #tpu.memory_space<vmem>>, vector<1x384x256xf32>
      %get3A_99 = vector.shape_cast %get3A_98 : vector<1x384x256xf32> to vector<384x256xf32>
      %convert_element_type3A_100 = arith.truncf %get3A_99 : vector<384x256xf32> to vector<384x256xbf16>
      %slice3A_101 = vector.extract_strided_slice %slice3A_35 {offsets = [256, 0], sizes = [256, 512], strides = [1, 1]} : vector<768x512xf32> to vector<256x512xf32>
      %convert_element_type3A_102 = arith.truncf %slice3A_101 : vector<256x512xf32> to vector<256x512xbf16>
      %dot_general3A_103 = arith.constant dense<0.000000e+00> : vector<384x512xf32>
      %dot_general3A_104 = tpu.matmul %convert_element_type3A_100, %convert_element_type3A_102, %dot_general3A_103 {dimension_numbers = #tpu.dot_dimension_numbers<[1], [0], [0], [1], [0, 0, 1, 1], [], []>, transpose_lhs_hint = false} : vector<384x256xbf16>, vector<256x512xbf16>, vector<384x512xf32> -> vector<384x512xf32>
      %get3A_105 = arith.constant 1 : index
      %get3A_106 = arith.constant 0 : index
      %get3A_107 = arith.constant 512 : index
      %get3A_108 = vector.load %arg2[%get3A_105, %get3A_106, %get3A_107] : memref<9x384x768xf32, #tpu.memory_space<vmem>>, vector<1x384x256xf32>
      %get3A_109 = vector.shape_cast %get3A_108 : vector<1x384x256xf32> to vector<384x256xf32>
      %convert_element_type3A_110 = arith.truncf %get3A_109 : vector<384x256xf32> to vector<384x256xbf16>
      %slice3A_111 = vector.extract_strided_slice %slice3A_35 {offsets = [512, 0], sizes = [256, 512], strides = [1, 1]} : vector<768x512xf32> to vector<256x512xf32>
      %convert_element_type3A_112 = arith.truncf %slice3A_111 : vector<256x512xf32> to vector<256x512xbf16>
      %dot_general3A_113 = arith.constant dense<0.000000e+00> : vector<384x512xf32>
      %dot_general3A_114 = tpu.matmul %convert_element_type3A_110, %convert_element_type3A_112, %dot_general3A_113 {dimension_numbers = #tpu.dot_dimension_numbers<[1], [0], [0], [1], [0, 0, 1, 1], [], []>, transpose_lhs_hint = false} : vector<384x256xbf16>, vector<256x512xbf16>, vector<384x512xf32> -> vector<384x512xf32>
      %add3A_115 = arith.addf %dot_general3A_104, %dot_general3A_114 : vector<384x512xf32>
      %add3A_116 = arith.addf %add3A_94, %add3A_115 : vector<384x512xf32>
      %get3A_117 = arith.constant 2 : index
      %get3A_118 = arith.constant 0 : index
      %get3A_119 = arith.constant 0 : index
      %get3A_120 = vector.load %arg2[%get3A_117, %get3A_118, %get3A_119] : memref<9x384x768xf32, #tpu.memory_space<vmem>>, vector<1x384x256xf32>
      %get3A_121 = vector.shape_cast %get3A_120 : vector<1x384x256xf32> to vector<384x256xf32>
      %convert_element_type3A_122 = arith.truncf %get3A_121 : vector<384x256xf32> to vector<384x256xbf16>
      %slice3A_123 = vector.extract_strided_slice %mul3A_38 {offsets = [0, 0], sizes = [256, 512], strides = [1, 1]} : vector<768x512xf32> to vector<256x512xf32>
      %convert_element_type3A_124 = arith.truncf %slice3A_123 : vector<256x512xf32> to vector<256x512xbf16>
      %dot_general3A_125 = arith.constant dense<0.000000e+00> : vector<384x512xf32>
      %dot_general3A_126 = tpu.matmul %convert_element_type3A_122, %convert_element_type3A_124, %dot_general3A_125 {dimension_numbers = #tpu.dot_dimension_numbers<[1], [0], [0], [1], [0, 0, 1, 1], [], []>, transpose_lhs_hint = false} : vector<384x256xbf16>, vector<256x512xbf16>, vector<384x512xf32> -> vector<384x512xf32>
      %add3A_127 = arith.addf %add3A_116, %dot_general3A_126 : vector<384x512xf32>
      %get3A_128 = arith.constant 2 : index
      %get3A_129 = arith.constant 0 : index
      %get3A_130 = arith.constant 256 : index
      %get3A_131 = vector.load %arg2[%get3A_128, %get3A_129, %get3A_130] : memref<9x384x768xf32, #tpu.memory_space<vmem>>, vector<1x384x256xf32>
      %get3A_132 = vector.shape_cast %get3A_131 : vector<1x384x256xf32> to vector<384x256xf32>
      %convert_element_type3A_133 = arith.truncf %get3A_132 : vector<384x256xf32> to vector<384x256xbf16>
      %slice3A_134 = vector.extract_strided_slice %mul3A_38 {offsets = [256, 0], sizes = [256, 512], strides = [1, 1]} : vector<768x512xf32> to vector<256x512xf32>
      %convert_element_type3A_135 = arith.truncf %slice3A_134 : vector<256x512xf32> to vector<256x512xbf16>
      %dot_general3A_136 = arith.constant dense<0.000000e+00> : vector<384x512xf32>
      %dot_general3A_137 = tpu.matmul %convert_element_type3A_133, %convert_element_type3A_135, %dot_general3A_136 {dimension_numbers = #tpu.dot_dimension_numbers<[1], [0], [0], [1], [0, 0, 1, 1], [], []>, transpose_lhs_hint = false} : vector<384x256xbf16>, vector<256x512xbf16>, vector<384x512xf32> -> vector<384x512xf32>
      %add3A_138 = arith.addf %add3A_127, %dot_general3A_137 : vector<384x512xf32>
      %get3A_139 = arith.constant 2 : index
      %get3A_140 = arith.constant 0 : index
      %get3A_141 = arith.constant 512 : index
      %get3A_142 = vector.load %arg2[%get3A_139, %get3A_140, %get3A_141] : memref<9x384x768xf32, #tpu.memory_space<vmem>>, vector<1x384x256xf32>
      %get3A_143 = vector.shape_cast %get3A_142 : vector<1x384x256xf32> to vector<384x256xf32>
      %convert_element_type3A_144 = arith.truncf %get3A_143 : vector<384x256xf32> to vector<384x256xbf16>
      %slice3A_145 = vector.extract_strided_slice %mul3A_38 {offsets = [512, 0], sizes = [256, 512], strides = [1, 1]} : vector<768x512xf32> to vector<256x512xf32>
      %convert_element_type3A_146 = arith.truncf %slice3A_145 : vector<256x512xf32> to vector<256x512xbf16>
      %dot_general3A_147 = arith.constant dense<0.000000e+00> : vector<384x512xf32>
      %dot_general3A_148 = tpu.matmul %convert_element_type3A_144, %convert_element_type3A_146, %dot_general3A_147 {dimension_numbers = #tpu.dot_dimension_numbers<[1], [0], [0], [1], [0, 0, 1, 1], [], []>, transpose_lhs_hint = false} : vector<384x256xbf16>, vector<256x512xbf16>, vector<384x512xf32> -> vector<384x512xf32>
      %get3A_149 = arith.constant 3 : index
      %get3A_150 = arith.constant 0 : index
      %get3A_151 = arith.constant 0 : index
      %get3A_152 = vector.load %arg2[%get3A_149, %get3A_150, %get3A_151] : memref<9x384x768xf32, #tpu.memory_space<vmem>>, vector<1x384x256xf32>
      %get3A_153 = vector.shape_cast %get3A_152 : vector<1x384x256xf32> to vector<384x256xf32>
      %convert_element_type3A_154 = arith.truncf %get3A_153 : vector<384x256xf32> to vector<384x256xbf16>
      %slice3A_155 = vector.extract_strided_slice %mul3A_41 {offsets = [0, 0], sizes = [256, 512], strides = [1, 1]} : vector<768x512xf32> to vector<256x512xf32>
      %convert_element_type3A_156 = arith.truncf %slice3A_155 : vector<256x512xf32> to vector<256x512xbf16>
      %dot_general3A_157 = arith.constant dense<0.000000e+00> : vector<384x512xf32>
      %dot_general3A_158 = tpu.matmul %convert_element_type3A_154, %convert_element_type3A_156, %dot_general3A_157 {dimension_numbers = #tpu.dot_dimension_numbers<[1], [0], [0], [1], [0, 0, 1, 1], [], []>, transpose_lhs_hint = false} : vector<384x256xbf16>, vector<256x512xbf16>, vector<384x512xf32> -> vector<384x512xf32>
      %add3A_159 = arith.addf %dot_general3A_148, %dot_general3A_158 : vector<384x512xf32>
      %add3A_160 = arith.addf %add3A_138, %add3A_159 : vector<384x512xf32>
      %get3A_161 = arith.constant 3 : index
      %get3A_162 = arith.constant 0 : index
      %get3A_163 = arith.constant 256 : index
      %get3A_164 = vector.load %arg2[%get3A_161, %get3A_162, %get3A_163] : memref<9x384x768xf32, #tpu.memory_space<vmem>>, vector<1x384x256xf32>
      %get3A_165 = vector.shape_cast %get3A_164 : vector<1x384x256xf32> to vector<384x256xf32>
      %convert_element_type3A_166 = arith.truncf %get3A_165 : vector<384x256xf32> to vector<384x256xbf16>
      %slice3A_167 = vector.extract_strided_slice %mul3A_41 {offsets = [256, 0], sizes = [256, 512], strides = [1, 1]} : vector<768x512xf32> to vector<256x512xf32>
      %convert_element_type3A_168 = arith.truncf %slice3A_167 : vector<256x512xf32> to vector<256x512xbf16>
      %dot_general3A_169 = arith.constant dense<0.000000e+00> : vector<384x512xf32>
      %dot_general3A_170 = tpu.matmul %convert_element_type3A_166, %convert_element_type3A_168, %dot_general3A_169 {dimension_numbers = #tpu.dot_dimension_numbers<[1], [0], [0], [1], [0, 0, 1, 1], [], []>, transpose_lhs_hint = false} : vector<384x256xbf16>, vector<256x512xbf16>, vector<384x512xf32> -> vector<384x512xf32>
      %add3A_171 = arith.addf %add3A_160, %dot_general3A_170 : vector<384x512xf32>
      %get3A_172 = arith.constant 3 : index
      %get3A_173 = arith.constant 0 : index
      %get3A_174 = arith.constant 512 : index
      %get3A_175 = vector.load %arg2[%get3A_172, %get3A_173, %get3A_174] : memref<9x384x768xf32, #tpu.memory_space<vmem>>, vector<1x384x256xf32>
      %get3A_176 = vector.shape_cast %get3A_175 : vector<1x384x256xf32> to vector<384x256xf32>
      %convert_element_type3A_177 = arith.truncf %get3A_176 : vector<384x256xf32> to vector<384x256xbf16>
      %slice3A_178 = vector.extract_strided_slice %mul3A_41 {offsets = [512, 0], sizes = [256, 512], strides = [1, 1]} : vector<768x512xf32> to vector<256x512xf32>
      %convert_element_type3A_179 = arith.truncf %slice3A_178 : vector<256x512xf32> to vector<256x512xbf16>
      %dot_general3A_180 = arith.constant dense<0.000000e+00> : vector<384x512xf32>
      %dot_general3A_181 = tpu.matmul %convert_element_type3A_177, %convert_element_type3A_179, %dot_general3A_180 {dimension_numbers = #tpu.dot_dimension_numbers<[1], [0], [0], [1], [0, 0, 1, 1], [], []>, transpose_lhs_hint = false} : vector<384x256xbf16>, vector<256x512xbf16>, vector<384x512xf32> -> vector<384x512xf32>
      %add3A_182 = arith.addf %add3A_171, %dot_general3A_181 : vector<384x512xf32>
      %get3A_183 = arith.constant 4 : index
      %get3A_184 = arith.constant 0 : index
      %get3A_185 = arith.constant 0 : index
      %get3A_186 = vector.load %arg2[%get3A_183, %get3A_184, %get3A_185] : memref<9x384x768xf32, #tpu.memory_space<vmem>>, vector<1x384x256xf32>
      %get3A_187 = vector.shape_cast %get3A_186 : vector<1x384x256xf32> to vector<384x256xf32>
      %convert_element_type3A_188 = arith.truncf %get3A_187 : vector<384x256xf32> to vector<384x256xbf16>
      %slice3A_189 = vector.extract_strided_slice %slice3A_42 {offsets = [0, 0], sizes = [256, 512], strides = [1, 1]} : vector<768x512xf32> to vector<256x512xf32>
      %convert_element_type3A_190 = arith.truncf %slice3A_189 : vector<256x512xf32> to vector<256x512xbf16>
      %dot_general3A_191 = arith.constant dense<0.000000e+00> : vector<384x512xf32>
      %dot_general3A_192 = tpu.matmul %convert_element_type3A_188, %convert_element_type3A_190, %dot_general3A_191 {dimension_numbers = #tpu.dot_dimension_numbers<[1], [0], [0], [1], [0, 0, 1, 1], [], []>, transpose_lhs_hint = false} : vector<384x256xbf16>, vector<256x512xbf16>, vector<384x512xf32> -> vector<384x512xf32>
      %get3A_193 = arith.constant 4 : index
      %get3A_194 = arith.constant 0 : index
      %get3A_195 = arith.constant 256 : index
      %get3A_196 = vector.load %arg2[%get3A_193, %get3A_194, %get3A_195] : memref<9x384x768xf32, #tpu.memory_space<vmem>>, vector<1x384x256xf32>
      %get3A_197 = vector.shape_cast %get3A_196 : vector<1x384x256xf32> to vector<384x256xf32>
      %convert_element_type3A_198 = arith.truncf %get3A_197 : vector<384x256xf32> to vector<384x256xbf16>
      %slice3A_199 = vector.extract_strided_slice %slice3A_42 {offsets = [256, 0], sizes = [256, 512], strides = [1, 1]} : vector<768x512xf32> to vector<256x512xf32>
      %convert_element_type3A_200 = arith.truncf %slice3A_199 : vector<256x512xf32> to vector<256x512xbf16>
      %dot_general3A_201 = arith.constant dense<0.000000e+00> : vector<384x512xf32>
      %dot_general3A_202 = tpu.matmul %convert_element_type3A_198, %convert_element_type3A_200, %dot_general3A_201 {dimension_numbers = #tpu.dot_dimension_numbers<[1], [0], [0], [1], [0, 0, 1, 1], [], []>, transpose_lhs_hint = false} : vector<384x256xbf16>, vector<256x512xbf16>, vector<384x512xf32> -> vector<384x512xf32>
      %add3A_203 = arith.addf %dot_general3A_192, %dot_general3A_202 : vector<384x512xf32>
      %add3A_204 = arith.addf %add3A_182, %add3A_203 : vector<384x512xf32>
      %get3A_205 = arith.constant 4 : index
      %get3A_206 = arith.constant 0 : index
      %get3A_207 = arith.constant 512 : index
      %get3A_208 = vector.load %arg2[%get3A_205, %get3A_206, %get3A_207] : memref<9x384x768xf32, #tpu.memory_space<vmem>>, vector<1x384x256xf32>
      %get3A_209 = vector.shape_cast %get3A_208 : vector<1x384x256xf32> to vector<384x256xf32>
      %convert_element_type3A_210 = arith.truncf %get3A_209 : vector<384x256xf32> to vector<384x256xbf16>
      %slice3A_211 = vector.extract_strided_slice %slice3A_42 {offsets = [512, 0], sizes = [256, 512], strides = [1, 1]} : vector<768x512xf32> to vector<256x512xf32>
      %convert_element_type3A_212 = arith.truncf %slice3A_211 : vector<256x512xf32> to vector<256x512xbf16>
      %dot_general3A_213 = arith.constant dense<0.000000e+00> : vector<384x512xf32>
      %dot_general3A_214 = tpu.matmul %convert_element_type3A_210, %convert_element_type3A_212, %dot_general3A_213 {dimension_numbers = #tpu.dot_dimension_numbers<[1], [0], [0], [1], [0, 0, 1, 1], [], []>, transpose_lhs_hint = false} : vector<384x256xbf16>, vector<256x512xbf16>, vector<384x512xf32> -> vector<384x512xf32>
      %add3A_215 = arith.addf %add3A_204, %dot_general3A_214 : vector<384x512xf32>
      %get3A_216 = arith.constant 5 : index
      %get3A_217 = arith.constant 0 : index
      %get3A_218 = arith.constant 0 : index
      %get3A_219 = vector.load %arg2[%get3A_216, %get3A_217, %get3A_218] : memref<9x384x768xf32, #tpu.memory_space<vmem>>, vector<1x384x256xf32>
      %get3A_220 = vector.shape_cast %get3A_219 : vector<1x384x256xf32> to vector<384x256xf32>
      %convert_element_type3A_221 = arith.truncf %get3A_220 : vector<384x256xf32> to vector<384x256xbf16>
      %slice3A_222 = vector.extract_strided_slice %mul3A_45 {offsets = [0, 0], sizes = [256, 512], strides = [1, 1]} : vector<768x512xf32> to vector<256x512xf32>
      %convert_element_type3A_223 = arith.truncf %slice3A_222 : vector<256x512xf32> to vector<256x512xbf16>
      %dot_general3A_224 = arith.constant dense<0.000000e+00> : vector<384x512xf32>
      %dot_general3A_225 = tpu.matmul %convert_element_type3A_221, %convert_element_type3A_223, %dot_general3A_224 {dimension_numbers = #tpu.dot_dimension_numbers<[1], [0], [0], [1], [0, 0, 1, 1], [], []>, transpose_lhs_hint = false} : vector<384x256xbf16>, vector<256x512xbf16>, vector<384x512xf32> -> vector<384x512xf32>
      %add3A_226 = arith.addf %add3A_215, %dot_general3A_225 : vector<384x512xf32>
      %get3A_227 = arith.constant 5 : index
      %get3A_228 = arith.constant 0 : index
      %get3A_229 = arith.constant 256 : index
      %get3A_230 = vector.load %arg2[%get3A_227, %get3A_228, %get3A_229] : memref<9x384x768xf32, #tpu.memory_space<vmem>>, vector<1x384x256xf32>
      %get3A_231 = vector.shape_cast %get3A_230 : vector<1x384x256xf32> to vector<384x256xf32>
      %convert_element_type3A_232 = arith.truncf %get3A_231 : vector<384x256xf32> to vector<384x256xbf16>
      %slice3A_233 = vector.extract_strided_slice %mul3A_45 {offsets = [256, 0], sizes = [256, 512], strides = [1, 1]} : vector<768x512xf32> to vector<256x512xf32>
      %convert_element_type3A_234 = arith.truncf %slice3A_233 : vector<256x512xf32> to vector<256x512xbf16>
      %dot_general3A_235 = arith.constant dense<0.000000e+00> : vector<384x512xf32>
      %dot_general3A_236 = tpu.matmul %convert_element_type3A_232, %convert_element_type3A_234, %dot_general3A_235 {dimension_numbers = #tpu.dot_dimension_numbers<[1], [0], [0], [1], [0, 0, 1, 1], [], []>, transpose_lhs_hint = false} : vector<384x256xbf16>, vector<256x512xbf16>, vector<384x512xf32> -> vector<384x512xf32>
      %add3A_237 = arith.addf %add3A_226, %dot_general3A_236 : vector<384x512xf32>
      %get3A_238 = arith.constant 5 : index
      %get3A_239 = arith.constant 0 : index
      %get3A_240 = arith.constant 512 : index
      %get3A_241 = vector.load %arg2[%get3A_238, %get3A_239, %get3A_240] : memref<9x384x768xf32, #tpu.memory_space<vmem>>, vector<1x384x256xf32>
      %get3A_242 = vector.shape_cast %get3A_241 : vector<1x384x256xf32> to vector<384x256xf32>
      %convert_element_type3A_243 = arith.truncf %get3A_242 : vector<384x256xf32> to vector<384x256xbf16>
      %slice3A_244 = vector.extract_strided_slice %mul3A_45 {offsets = [512, 0], sizes = [256, 512], strides = [1, 1]} : vector<768x512xf32> to vector<256x512xf32>
      %convert_element_type3A_245 = arith.truncf %slice3A_244 : vector<256x512xf32> to vector<256x512xbf16>
      %dot_general3A_246 = arith.constant dense<0.000000e+00> : vector<384x512xf32>
      %dot_general3A_247 = tpu.matmul %convert_element_type3A_243, %convert_element_type3A_245, %dot_general3A_246 {dimension_numbers = #tpu.dot_dimension_numbers<[1], [0], [0], [1], [0, 0, 1, 1], [], []>, transpose_lhs_hint = false} : vector<384x256xbf16>, vector<256x512xbf16>, vector<384x512xf32> -> vector<384x512xf32>
      %add3A_248 = arith.addf %add3A_237, %dot_general3A_247 : vector<384x512xf32>
      %get3A_249 = arith.constant 6 : index
      %get3A_250 = arith.constant 0 : index
      %get3A_251 = arith.constant 0 : index
      %get3A_252 = vector.load %arg2[%get3A_249, %get3A_250, %get3A_251] : memref<9x384x768xf32, #tpu.memory_space<vmem>>, vector<1x384x256xf32>
      %get3A_253 = vector.shape_cast %get3A_252 : vector<1x384x256xf32> to vector<384x256xf32>
      %convert_element_type3A_254 = arith.truncf %get3A_253 : vector<384x256xf32> to vector<384x256xbf16>
      %slice3A_255 = vector.extract_strided_slice %mul3A_48 {offsets = [0, 0], sizes = [256, 512], strides = [1, 1]} : vector<768x512xf32> to vector<256x512xf32>
      %convert_element_type3A_256 = arith.truncf %slice3A_255 : vector<256x512xf32> to vector<256x512xbf16>
      %dot_general3A_257 = arith.constant dense<0.000000e+00> : vector<384x512xf32>
      %dot_general3A_258 = tpu.matmul %convert_element_type3A_254, %convert_element_type3A_256, %dot_general3A_257 {dimension_numbers = #tpu.dot_dimension_numbers<[1], [0], [0], [1], [0, 0, 1, 1], [], []>, transpose_lhs_hint = false} : vector<384x256xbf16>, vector<256x512xbf16>, vector<384x512xf32> -> vector<384x512xf32>
      %add3A_259 = arith.addf %add3A_248, %dot_general3A_258 : vector<384x512xf32>
      %get3A_260 = arith.constant 6 : index
      %get3A_261 = arith.constant 0 : index
      %get3A_262 = arith.constant 256 : index
      %get3A_263 = vector.load %arg2[%get3A_260, %get3A_261, %get3A_262] : memref<9x384x768xf32, #tpu.memory_space<vmem>>, vector<1x384x256xf32>
      %get3A_264 = vector.shape_cast %get3A_263 : vector<1x384x256xf32> to vector<384x256xf32>
      %convert_element_type3A_265 = arith.truncf %get3A_264 : vector<384x256xf32> to vector<384x256xbf16>
      %slice3A_266 = vector.extract_strided_slice %mul3A_48 {offsets = [256, 0], sizes = [256, 512], strides = [1, 1]} : vector<768x512xf32> to vector<256x512xf32>
      %convert_element_type3A_267 = arith.truncf %slice3A_266 : vector<256x512xf32> to vector<256x512xbf16>
      %dot_general3A_268 = arith.constant dense<0.000000e+00> : vector<384x512xf32>
      %dot_general3A_269 = tpu.matmul %convert_element_type3A_265, %convert_element_type3A_267, %dot_general3A_268 {dimension_numbers = #tpu.dot_dimension_numbers<[1], [0], [0], [1], [0, 0, 1, 1], [], []>, transpose_lhs_hint = false} : vector<384x256xbf16>, vector<256x512xbf16>, vector<384x512xf32> -> vector<384x512xf32>
      %get3A_270 = arith.constant 6 : index
      %get3A_271 = arith.constant 0 : index
      %get3A_272 = arith.constant 512 : index
      %get3A_273 = vector.load %arg2[%get3A_270, %get3A_271, %get3A_272] : memref<9x384x768xf32, #tpu.memory_space<vmem>>, vector<1x384x256xf32>
      %get3A_274 = vector.shape_cast %get3A_273 : vector<1x384x256xf32> to vector<384x256xf32>
      %convert_element_type3A_275 = arith.truncf %get3A_274 : vector<384x256xf32> to vector<384x256xbf16>
      %slice3A_276 = vector.extract_strided_slice %mul3A_48 {offsets = [512, 0], sizes = [256, 512], strides = [1, 1]} : vector<768x512xf32> to vector<256x512xf32>
      %convert_element_type3A_277 = arith.truncf %slice3A_276 : vector<256x512xf32> to vector<256x512xbf16>
      %dot_general3A_278 = arith.constant dense<0.000000e+00> : vector<384x512xf32>
      %dot_general3A_279 = tpu.matmul %convert_element_type3A_275, %convert_element_type3A_277, %dot_general3A_278 {dimension_numbers = #tpu.dot_dimension_numbers<[1], [0], [0], [1], [0, 0, 1, 1], [], []>, transpose_lhs_hint = false} : vector<384x256xbf16>, vector<256x512xbf16>, vector<384x512xf32> -> vector<384x512xf32>
      %add3A_280 = arith.addf %dot_general3A_269, %dot_general3A_279 : vector<384x512xf32>
      %add3A_281 = arith.addf %add3A_259, %add3A_280 : vector<384x512xf32>
      %get3A_282 = arith.constant 7 : index
      %get3A_283 = arith.constant 0 : index
      %get3A_284 = arith.constant 0 : index
      %get3A_285 = vector.load %arg2[%get3A_282, %get3A_283, %get3A_284] : memref<9x384x768xf32, #tpu.memory_space<vmem>>, vector<1x384x256xf32>
      %get3A_286 = vector.shape_cast %get3A_285 : vector<1x384x256xf32> to vector<384x256xf32>
      %convert_element_type3A_287 = arith.truncf %get3A_286 : vector<384x256xf32> to vector<384x256xbf16>
      %slice3A_288 = vector.extract_strided_slice %slice3A_49 {offsets = [0, 0], sizes = [256, 512], strides = [1, 1]} : vector<768x512xf32> to vector<256x512xf32>
      %convert_element_type3A_289 = arith.truncf %slice3A_288 : vector<256x512xf32> to vector<256x512xbf16>
      %dot_general3A_290 = arith.constant dense<0.000000e+00> : vector<384x512xf32>
      %dot_general3A_291 = tpu.matmul %convert_element_type3A_287, %convert_element_type3A_289, %dot_general3A_290 {dimension_numbers = #tpu.dot_dimension_numbers<[1], [0], [0], [1], [0, 0, 1, 1], [], []>, transpose_lhs_hint = false} : vector<384x256xbf16>, vector<256x512xbf16>, vector<384x512xf32> -> vector<384x512xf32>
      %add3A_292 = arith.addf %add3A_281, %dot_general3A_291 : vector<384x512xf32>
      %get3A_293 = arith.constant 7 : index
      %get3A_294 = arith.constant 0 : index
      %get3A_295 = arith.constant 256 : index
      %get3A_296 = vector.load %arg2[%get3A_293, %get3A_294, %get3A_295] : memref<9x384x768xf32, #tpu.memory_space<vmem>>, vector<1x384x256xf32>
      %get3A_297 = vector.shape_cast %get3A_296 : vector<1x384x256xf32> to vector<384x256xf32>
      %convert_element_type3A_298 = arith.truncf %get3A_297 : vector<384x256xf32> to vector<384x256xbf16>
      %slice3A_299 = vector.extract_strided_slice %slice3A_49 {offsets = [256, 0], sizes = [256, 512], strides = [1, 1]} : vector<768x512xf32> to vector<256x512xf32>
      %convert_element_type3A_300 = arith.truncf %slice3A_299 : vector<256x512xf32> to vector<256x512xbf16>
      %dot_general3A_301 = arith.constant dense<0.000000e+00> : vector<384x512xf32>
      %dot_general3A_302 = tpu.matmul %convert_element_type3A_298, %convert_element_type3A_300, %dot_general3A_301 {dimension_numbers = #tpu.dot_dimension_numbers<[1], [0], [0], [1], [0, 0, 1, 1], [], []>, transpose_lhs_hint = false} : vector<384x256xbf16>, vector<256x512xbf16>, vector<384x512xf32> -> vector<384x512xf32>
      %add3A_303 = arith.addf %add3A_292, %dot_general3A_302 : vector<384x512xf32>
      %get3A_304 = arith.constant 7 : index
      %get3A_305 = arith.constant 0 : index
      %get3A_306 = arith.constant 512 : index
      %get3A_307 = vector.load %arg2[%get3A_304, %get3A_305, %get3A_306] : memref<9x384x768xf32, #tpu.memory_space<vmem>>, vector<1x384x256xf32>
      %get3A_308 = vector.shape_cast %get3A_307 : vector<1x384x256xf32> to vector<384x256xf32>
      %convert_element_type3A_309 = arith.truncf %get3A_308 : vector<384x256xf32> to vector<384x256xbf16>
      %slice3A_310 = vector.extract_strided_slice %slice3A_49 {offsets = [512, 0], sizes = [256, 512], strides = [1, 1]} : vector<768x512xf32> to vector<256x512xf32>
      %convert_element_type3A_311 = arith.truncf %slice3A_310 : vector<256x512xf32> to vector<256x512xbf16>
      %dot_general3A_312 = arith.constant dense<0.000000e+00> : vector<384x512xf32>
      %dot_general3A_313 = tpu.matmul %convert_element_type3A_309, %convert_element_type3A_311, %dot_general3A_312 {dimension_numbers = #tpu.dot_dimension_numbers<[1], [0], [0], [1], [0, 0, 1, 1], [], []>, transpose_lhs_hint = false} : vector<384x256xbf16>, vector<256x512xbf16>, vector<384x512xf32> -> vector<384x512xf32>
      %get3A_314 = arith.constant 8 : index
      %get3A_315 = arith.constant 0 : index
      %get3A_316 = arith.constant 0 : index
      %get3A_317 = vector.load %arg2[%get3A_314, %get3A_315, %get3A_316] : memref<9x384x768xf32, #tpu.memory_space<vmem>>, vector<1x384x256xf32>
      %get3A_318 = vector.shape_cast %get3A_317 : vector<1x384x256xf32> to vector<384x256xf32>
      %convert_element_type3A_319 = arith.truncf %get3A_318 : vector<384x256xf32> to vector<384x256xbf16>
      %slice3A_320 = vector.extract_strided_slice %mul3A_52 {offsets = [0, 0], sizes = [256, 512], strides = [1, 1]} : vector<768x512xf32> to vector<256x512xf32>
      %convert_element_type3A_321 = arith.truncf %slice3A_320 : vector<256x512xf32> to vector<256x512xbf16>
      %dot_general3A_322 = arith.constant dense<0.000000e+00> : vector<384x512xf32>
      %dot_general3A_323 = tpu.matmul %convert_element_type3A_319, %convert_element_type3A_321, %dot_general3A_322 {dimension_numbers = #tpu.dot_dimension_numbers<[1], [0], [0], [1], [0, 0, 1, 1], [], []>, transpose_lhs_hint = false} : vector<384x256xbf16>, vector<256x512xbf16>, vector<384x512xf32> -> vector<384x512xf32>
      %add3A_324 = arith.addf %dot_general3A_313, %dot_general3A_323 : vector<384x512xf32>
      %add3A_325 = arith.addf %add3A_303, %add3A_324 : vector<384x512xf32>
      %get3A_326 = arith.constant 8 : index
      %get3A_327 = arith.constant 0 : index
      %get3A_328 = arith.constant 256 : index
      %get3A_329 = vector.load %arg2[%get3A_326, %get3A_327, %get3A_328] : memref<9x384x768xf32, #tpu.memory_space<vmem>>, vector<1x384x256xf32>
      %get3A_330 = vector.shape_cast %get3A_329 : vector<1x384x256xf32> to vector<384x256xf32>
      %convert_element_type3A_331 = arith.truncf %get3A_330 : vector<384x256xf32> to vector<384x256xbf16>
      %slice3A_332 = vector.extract_strided_slice %mul3A_52 {offsets = [256, 0], sizes = [256, 512], strides = [1, 1]} : vector<768x512xf32> to vector<256x512xf32>
      %convert_element_type3A_333 = arith.truncf %slice3A_332 : vector<256x512xf32> to vector<256x512xbf16>
      %dot_general3A_334 = arith.constant dense<0.000000e+00> : vector<384x512xf32>
      %dot_general3A_335 = tpu.matmul %convert_element_type3A_331, %convert_element_type3A_333, %dot_general3A_334 {dimension_numbers = #tpu.dot_dimension_numbers<[1], [0], [0], [1], [0, 0, 1, 1], [], []>, transpose_lhs_hint = false} : vector<384x256xbf16>, vector<256x512xbf16>, vector<384x512xf32> -> vector<384x512xf32>
      %add3A_336 = arith.addf %add3A_325, %dot_general3A_335 : vector<384x512xf32>
      %get3A_337 = arith.constant 8 : index
      %get3A_338 = arith.constant 0 : index
      %get3A_339 = arith.constant 512 : index
      %get3A_340 = vector.load %arg2[%get3A_337, %get3A_338, %get3A_339] : memref<9x384x768xf32, #tpu.memory_space<vmem>>, vector<1x384x256xf32>
      %get3A_341 = vector.shape_cast %get3A_340 : vector<1x384x256xf32> to vector<384x256xf32>
      %convert_element_type3A_342 = arith.truncf %get3A_341 : vector<384x256xf32> to vector<384x256xbf16>
      %slice3A_343 = vector.extract_strided_slice %mul3A_52 {offsets = [512, 0], sizes = [256, 512], strides = [1, 1]} : vector<768x512xf32> to vector<256x512xf32>
      %convert_element_type3A_344 = arith.truncf %slice3A_343 : vector<256x512xf32> to vector<256x512xbf16>
      %dot_general3A_345 = arith.constant dense<0.000000e+00> : vector<384x512xf32>
      %dot_general3A_346 = tpu.matmul %convert_element_type3A_342, %convert_element_type3A_344, %dot_general3A_345 {dimension_numbers = #tpu.dot_dimension_numbers<[1], [0], [0], [1], [0, 0, 1, 1], [], []>, transpose_lhs_hint = false} : vector<384x256xbf16>, vector<256x512xbf16>, vector<384x512xf32> -> vector<384x512xf32>
      %add3A_347 = arith.addf %add3A_336, %dot_general3A_346 : vector<384x512xf32>
      %get3A_348 = arith.constant 0 : index
      %get3A_349 = arith.constant 0 : index
      %get3A_350 = vector.load %arg3[%get3A_348, %get3A_349] : memref<384x1xf32, #tpu.memory_space<vmem>>, vector<384x1xf32>
      %add3A_351 = vector.broadcast %get3A_350 : vector<384x1xf32> to vector<384x512xf32>
      %add3A_352 = arith.addf %add3A_347, %add3A_351 : vector<384x512xf32>
      %max3A = arith.constant 0.000000e+00 : f32
      %max3A_353 = vector.broadcast %max3A : f32 to vector<384x512xf32>
      %max3A_354 = arith.maximumf %add3A_352, %max3A_353 : vector<384x512xf32>
      %get3A_355 = arith.constant 0 : index
      %get3A_356 = arith.constant 0 : index
      %get3A_357 = vector.load %arg4[%get3A_355, %get3A_356] : memref<1x384xf32, #tpu.memory_space<vmem>>, vector<1x384xf32>
      %convert_element_type3A_358 = arith.truncf %get3A_357 : vector<1x384xf32> to vector<1x384xbf16>
      %convert_element_type3A_359 = arith.truncf %max3A_354 : vector<384x512xf32> to vector<384x512xbf16>
      %dot_general3A_360 = arith.constant dense<0.000000e+00> : vector<1x512xf32>
      %dot_general3A_361 = tpu.matmul %convert_element_type3A_358, %convert_element_type3A_359, %dot_general3A_360 {dimension_numbers = #tpu.dot_dimension_numbers<[1], [0], [0], [1], [0, 0, 1, 1], [], []>, transpose_lhs_hint = false} : vector<1x384xbf16>, vector<384x512xbf16>, vector<1x512xf32> -> vector<1x512xf32>
      %get3A_362 = arith.constant 0 : index
      %get3A_363 = arith.constant 0 : index
      %get3A_364 = vector.load %arg5[%get3A_362, %get3A_363] : memref<1x1xf32, #tpu.memory_space<vmem>>, vector<1x1xf32>
      %get3A_365 = vector.extract %get3A_364[0, 0] : f32 from vector<1x1xf32>
      %add3A_366 = vector.broadcast %get3A_365 : f32 to vector<1x512xf32>
      %add3A_367 = arith.addf %dot_general3A_361, %add3A_366 : vector<1x512xf32>
      %swap3A = arith.constant 0 : index
      %swap3A_368 = arith.constant 0 : index
      %swap3A_369 = arith.index_cast %mul3A_28 : i32 to index
      %swap3A_370 = vector.load %arg6[%swap3A, %swap3A_368, %swap3A_369] : memref<1x1x4096xf32, #tpu.memory_space<vmem>>, vector<1x1x512xf32>
      %swap3A_371 = vector.shape_cast %swap3A_370 : vector<1x1x512xf32> to vector<1x512xf32>
      %swap3A_372 = vector.shape_cast %add3A_367 : vector<1x512xf32> to vector<1x1x512xf32>
      tpu.vector_store %arg6[%swap3A, %swap3A_368, %swap3A_369], %swap3A_372 {strides = array<i32>} : memref<1x1x4096xf32, #tpu.memory_space<vmem>>, vector<1x1x512xf32>,
    }
    %scan3A_26 = arith.constant 8 : i32
    return
  }
  func.func @transform_0(%arg0: i32) -> (i32, i32, i32) {
    %c0_i32 = arith.constant 0 : i32
    %c0_i32_0 = arith.constant 0 : i32
    %c0_i32_1 = arith.constant 0 : i32
    return %arg0, %c0_i32, %c0_i32_0 : i32, i32, i32
  }
  func.func @transform_1(%arg0: i32) -> (i32, i32, i32) {
    %c0_i32 = arith.constant 0 : i32
    %c0_i32_0 = arith.constant 0 : i32
    %c0_i32_1 = arith.constant 0 : i32
    %c0_i32_2 = arith.constant 0 : i32
    return %c0_i32, %c0_i32_0, %c0_i32_1 : i32, i32, i32
  }
  func.func @transform_2(%arg0: i32) -> (i32, i32) {
    %c0_i32 = arith.constant 0 : i32
    %c0_i32_0 = arith.constant 0 : i32
    %c0_i32_1 = arith.constant 0 : i32
    return %c0_i32, %c0_i32_0 : i32, i32
  }
  func.func @transform_3(%arg0: i32) -> (i32, i32) {
    %c0_i32 = arith.constant 0 : i32
    %c0_i32_0 = arith.constant 0 : i32
    %c0_i32_1 = arith.constant 0 : i32
    return %c0_i32, %c0_i32_0 : i32, i32
  }
  func.func @transform_4(%arg0: i32) -> (i32, i32) {
    %c0_i32 = arith.constant 0 : i32
    %c0_i32_0 = arith.constant 0 : i32
    %c0_i32_1 = arith.constant 0 : i32
    return %c0_i32, %c0_i32_0 : i32, i32
  }
  func.func @transform_5(%arg0: i32) -> (i32, i32, i32) {
    %c0_i32 = arith.constant 0 : i32
    %c0_i32_0 = arith.constant 0 : i32
    %c0_i32_1 = arith.constant 0 : i32
    return %arg0, %c0_i32, %c0_i32_0 : i32, i32, i32
  }
}

module attributes {stable_mosaic.version = 14 : i64} {
  func.func @_topk_body(%arg0: memref<8x4096xf32, #tpu.memory_space<vmem>>, %arg1: memref<8x256xi32, #tpu.memory_space<vmem>>, %arg2: memref<8x256xf32, #tpu.memory_space<vmem>>, %arg3: memref<8x256xf32, #tpu.memory_space<vmem>>) attributes {dimension_semantics = [], scalar_prefetch = 0 : i64, scratch_operands = 0 : i64, tpu.core_type = #tpu.core_type<tc>} {
    %get3A = arith.constant 0 : index
    %get3A_0 = arith.constant 0 : index
    %get3A_1 = vector.load %arg0[%get3A, %get3A_0] : memref<8x4096xf32, #tpu.memory_space<vmem>>, vector<8x4096xf32>
    %iota3A = tpu.iota {dimensions = array<i32: 1>} : vector<8x4096xi32>
    %iota3A_2 = tpu.iota {dimensions = array<i32: 1>} : vector<8x256xi32>
    %broadcast_in_dim3A = arith.constant 0 : i32
    %broadcast_in_dim3A_3 = vector.broadcast %broadcast_in_dim3A : i32 to vector<8x256xi32>
    %scan3A = arith.constant 0 : i32
    %scan3A_4 = arith.constant 256 : i32
    %scan3A_5 = arith.addi %scan3A, %scan3A_4 : i32
    %scan3A_6 = arith.constant 1 : i32
    %scan3A_7:2 = scf.for %scan3A_66 = %scan3A to %scan3A_5 step %scan3A_6 iter_args(%scan3A_67 = %get3A_1, %scan3A_68 = %broadcast_in_dim3A_3) -> (vector<8x4096xf32>, vector<8x256xi32>)  : i32 {
      %reduce_max3A = arith.constant dense<0xFF800000> : vector<8xf32>
      %reduce_max3A_69 = vector.multi_reduction <maximumf>, %scan3A_67, %reduce_max3A [1] : vector<8x4096xf32> to vector<8xf32>
      %broadcast_in_dim3A_70 = vector.shape_cast %reduce_max3A_69 : vector<8xf32> to vector<8x1xf32>
      %eq3A_71 = vector.broadcast %broadcast_in_dim3A_70 : vector<8x1xf32> to vector<8x4096xf32>
      %eq3A_72 = arith.cmpf oeq, %scan3A_67, %eq3A_71 : vector<8x4096xf32>
      %jit3A_73 = arith.constant 4096 : i32
      %broadcast_in_dim3A_74 = vector.broadcast %jit3A_73 : i32 to vector<8x4096xi32>
      %select_n3A_75 = arith.select %eq3A_72, %iota3A, %broadcast_in_dim3A_74 : vector<8x4096xi1>, vector<8x4096xi32>
      %reduce_min3A = arith.constant dense<2147483647> : vector<8xi32>
      %reduce_min3A_76 = vector.multi_reduction <minsi>, %select_n3A_75, %reduce_min3A [1] : vector<8x4096xi32> to vector<8xi32>
      %broadcast_in_dim3A_77 = vector.shape_cast %reduce_min3A_76 : vector<8xi32> to vector<8x1xi32>
      %eq3A_78 = vector.broadcast %scan3A_66 : i32 to vector<8x256xi32>
      %eq3A_79 = arith.cmpi eq, %iota3A_2, %eq3A_78 : vector<8x256xi32>
      %broadcast_in_dim3A_80 = vector.shape_cast %broadcast_in_dim3A_77 : vector<8x1xi32> to vector<8x1xi32>
      %broadcast_in_dim3A_81 = vector.broadcast %broadcast_in_dim3A_80 : vector<8x1xi32> to vector<8x256xi32>
      %select_n3A_82 = arith.select %eq3A_79, %broadcast_in_dim3A_81, %scan3A_68 : vector<8x256xi1>, vector<8x256xi32>
      %eq3A_83 = vector.broadcast %broadcast_in_dim3A_77 : vector<8x1xi32> to vector<8x4096xi32>
      %eq3A_84 = arith.cmpi eq, %iota3A, %eq3A_83 : vector<8x4096xi32>
      %jit3A_85 = arith.constant 0xFF800000 : f32
      %broadcast_in_dim3A_86 = vector.broadcast %jit3A_85 : f32 to vector<8x4096xf32>
      %select_n3A_87 = arith.select %eq3A_84, %broadcast_in_dim3A_86, %scan3A_67 : vector<8x4096xi1>, vector<8x4096xf32>
      scf.yield %select_n3A_87, %select_n3A_82 : vector<8x4096xf32>, vector<8x256xi32>
    }
    %scan3A_8 = arith.constant 256 : i32
    %swap3A = arith.constant 0 : index
    %swap3A_9 = arith.constant 0 : index
    %swap3A_10 = vector.load %arg1[%swap3A, %swap3A_9] : memref<8x256xi32, #tpu.memory_space<vmem>>, vector<8x256xi32>
    tpu.vector_store %arg1[%swap3A, %swap3A_9], %scan3A_7#1 {strides = array<i32>} : memref<8x256xi32, #tpu.memory_space<vmem>>, vector<8x256xi32>,
    %jit3A = arith.constant 64 : i32
    %eq3A = arith.constant 0 : i32
    %eq3A_11 = arith.cmpi eq, %jit3A, %eq3A : i32
    %jit3A_12 = arith.constant 1 : i32
    %select_n3A = arith.select %eq3A_11, %jit3A_12, %jit3A : i32
    %rem3A = vector.broadcast %select_n3A : i32 to vector<8x256xi32>
    %rem3A_13 = arith.remsi %scan3A_7#1, %rem3A : vector<8x256xi32>
    %ne3A = arith.constant 0 : i32
    %ne3A_14 = vector.broadcast %ne3A : i32 to vector<8x256xi32>
    %ne3A_15 = arith.cmpi ne, %rem3A_13, %ne3A_14 : vector<8x256xi32>
    %lt3A = arith.constant 0 : i32
    %lt3A_16 = vector.broadcast %lt3A : i32 to vector<8x256xi32>
    %lt3A_17 = arith.cmpi slt, %rem3A_13, %lt3A_16 : vector<8x256xi32>
    %lt3A_18 = arith.constant 0 : i32
    %lt3A_19 = arith.cmpi slt, %select_n3A, %lt3A_18 : i32
    %ne3A_20 = vector.broadcast %lt3A_19 : i1 to vector<8x256xi1>
    %ne3A_21 = vector.broadcast %ne3A_20 : vector<8x256xi1> to vector<8x256xi1>
    %ne3A_22 = arith.xori %lt3A_17, %ne3A_21 : vector<8x256xi1>
    %and3A = arith.andi %ne3A_22, %ne3A_15 : vector<8x256xi1>
    %add3A = vector.broadcast %select_n3A : i32 to vector<8x256xi32>
    %add3A_23 = arith.addi %rem3A_13, %add3A : vector<8x256xi32>
    %select_n3A_24 = arith.select %and3A, %add3A_23, %rem3A_13 : vector<8x256xi1>, vector<8x256xi32>
    %convert_element_type3A = arith.sitofp %select_n3A_24 : vector<8x256xi32> to vector<8x256xf32>
    %div3A = arith.constant 6.400000e+01 : f32
    %div3A_25 = vector.broadcast %div3A : f32 to vector<8x256xf32>
    %div3A_26 = arith.divf %convert_element_type3A, %div3A_25 : vector<8x256xf32>
    %swap3A_27 = arith.constant 0 : index
    %swap3A_28 = arith.constant 0 : index
    %swap3A_29 = vector.load %arg2[%swap3A_27, %swap3A_28] : memref<8x256xf32, #tpu.memory_space<vmem>>, vector<8x256xf32>
    tpu.vector_store %arg2[%swap3A_27, %swap3A_28], %div3A_26 {strides = array<i32>} : memref<8x256xf32, #tpu.memory_space<vmem>>, vector<8x256xf32>,
    %jit3A_30 = arith.constant 64 : i32
    %div3A_31 = vector.broadcast %jit3A_30 : i32 to vector<8x256xi32>
    %div3A_32 = arith.divsi %scan3A_7#1, %div3A_31 : vector<8x256xi32>
    %sign3A = arith.constant 0 : i32
    %sign3A_33 = vector.broadcast %sign3A : i32 to vector<8x256xi32>
    %sign3A_34 = arith.cmpi sgt, %scan3A_7#1, %sign3A_33 : vector<8x256xi32>
    %sign3A_35 = arith.extui %sign3A_34 : vector<8x256xi1> to vector<8x256xi32>
    %sign3A_36 = arith.constant 0 : i32
    %sign3A_37 = vector.broadcast %sign3A_36 : i32 to vector<8x256xi32>
    %sign3A_38 = arith.cmpi slt, %scan3A_7#1, %sign3A_37 : vector<8x256xi32>
    %sign3A_39 = arith.extui %sign3A_38 : vector<8x256xi1> to vector<8x256xi32>
    %sign3A_40 = arith.subi %sign3A_35, %sign3A_39 : vector<8x256xi32>
    %sign3A_41 = arith.constant 0 : i32
    %sign3A_42 = arith.cmpi sgt, %jit3A_30, %sign3A_41 : i32
    %sign3A_43 = arith.extui %sign3A_42 : i1 to i32
    %sign3A_44 = arith.constant 0 : i32
    %sign3A_45 = arith.cmpi slt, %jit3A_30, %sign3A_44 : i32
    %sign3A_46 = arith.extui %sign3A_45 : i1 to i32
    %sign3A_47 = arith.subi %sign3A_43, %sign3A_46 : i32
    %ne3A_48 = vector.broadcast %sign3A_47 : i32 to vector<8x256xi32>
    %ne3A_49 = arith.cmpi ne, %sign3A_40, %ne3A_48 : vector<8x256xi32>
    %rem3A_50 = vector.broadcast %jit3A_30 : i32 to vector<8x256xi32>
    %rem3A_51 = arith.remsi %scan3A_7#1, %rem3A_50 : vector<8x256xi32>
    %ne3A_52 = arith.constant 0 : i32
    %ne3A_53 = vector.broadcast %ne3A_52 : i32 to vector<8x256xi32>
    %ne3A_54 = arith.cmpi ne, %rem3A_51, %ne3A_53 : vector<8x256xi32>
    %and3A_55 = arith.andi %ne3A_49, %ne3A_54 : vector<8x256xi1>
    %sub3A = arith.constant 1 : i32
    %sub3A_56 = vector.broadcast %sub3A : i32 to vector<8x256xi32>
    %sub3A_57 = arith.subi %div3A_32, %sub3A_56 : vector<8x256xi32>
    %select_n3A_58 = arith.select %and3A_55, %sub3A_57, %div3A_32 : vector<8x256xi1>, vector<8x256xi32>
    %convert_element_type3A_59 = arith.sitofp %select_n3A_58 : vector<8x256xi32> to vector<8x256xf32>
    %div3A_60 = arith.constant 6.400000e+01 : f32
    %div3A_61 = vector.broadcast %div3A_60 : f32 to vector<8x256xf32>
    %div3A_62 = arith.divf %convert_element_type3A_59, %div3A_61 : vector<8x256xf32>
    %swap3A_63 = arith.constant 0 : index
    %swap3A_64 = arith.constant 0 : index
    %swap3A_65 = vector.load %arg3[%swap3A_63, %swap3A_64] : memref<8x256xf32, #tpu.memory_space<vmem>>, vector<8x256xf32>
    tpu.vector_store %arg3[%swap3A_63, %swap3A_64], %div3A_62 {strides = array<i32>} : memref<8x256xf32, #tpu.memory_space<vmem>>, vector<8x256xf32>,
    return
  }
}

</mosaic_0001>

<sc_bundles>
// kernel: sparse-core-data-format-call.cloned.1.call-start
scs
called_computation_lowered:
.L_overlay_start_0:
0x0: {  	s2 =	sld [smem:$0x3FD9]  }
0x1: {  	s3 =	sld [smem:$0x3FFE];
	_ =	sdelay $0x1  }
0x2: {  	s1 =	srdreg.scid  }
0x3: {  	s0 =	sand.u32 $0x1, s1  }
0x4: {  	s18 =	sshll.u32 s0, $0xA;
	s2 =	sadd.s32 s3, s2  }
0x5: {  	s2 =	sadd.s32 s2, s18  }
0x6: {  	[smem:$0x3FC3] =	sst s2  }
0x7: {  	_ = 	snop  }
0x8: {  	s2 =	sld [smem:$0x3FC9];
	(tm) =	ssettm $0x1  }
0x9: {  	s19 =	sld [smem:$0x3FFB];
	_ =	sdelay $0x3  }
0xa: {  	_ =	strace s19  }
0xb: {  	s3 =	sld [smem:$0x3FFC];
	_ =	sdelay $0x3  }
0xc: {  	_ =	strace s3  }
0xd: {  	s3 =	sld [smem:$0x3FFD];
	_ =	sdelay $0x3  }
0xe: {  	_ =	strace s3  }
0xf: {  	_ =	strace $0x8FFFFFFF  }
0x10: {  	s20 =	sld [smem:$0x3FDB];
	_ =	sdelay $0x1  }
0x11: {  	s4 =	simm.s32 $_scs_section_size  }
0x12: {  	s5 =	simm.s32 $_size__tile_overlayer_lowered;
	s6 =	simm.s32 $_tile_overlayer_lowered  }
0x13: {  	s23 =	simm.s32 $0x1BFF;
	s22 =	sshll.u32 s6, $0x1;
	s3 =	sadd.s32 s4, s20  }
0x14: {  	s7 =	simm.s32 $0x0;
	s21 =	sshll.u32 s5, $0x1;
	s5 =	sadd.s32 s22, s3  }
0x15: {  	[timem:s7], [sflag:s23] =	dma.local [hbm:s5], s21  }
0x16: {  	_ =	swait.ge [sflag:s23], s21  }
0x17: {  	s4 =	ssub.s32 $0x0, s21;
	[sflag:s23] =	ssyncset.done $0x0  }
0x18: {  	[sflag:s23] =	ssyncadd.s32 s4;
	_ =	sdelay $0x1  }
0x19: {  	s24 =	simm.s32 $0x1B8B  }
0x1a: {  	_ =	swait.ge [sflag:s24], $0x1  }
0x1b: {  	[sflag:s24] =	ssyncset.done $0x0  }
0x1c: {  	s26 =	simm.s32 $0x1B8E;
	s25 =	sld [smem:$0x3FFE];
	[sflag:s24] =	ssyncadd.s32 $0xFFFFFFFF  }
0x1d: {  	s27 =	simm.s32 $execute0_lowered;
	[smem:$0x3FD2] =	sst s26  }
0x1e: {  	s5 =	sshll.u32 s27, $0x1;
	_ =	strace $0x80000046;
	[dreg:$0x1] =	wrdreg $0xFFFFFFFF  }
0x1f: {  	s28 =	simm.s32 $_size_execute0_lowered;
	s3 =	sadd.s32 s3, s5;
	[dreg:$0x0] =	wrdreg $0x0  }
0x20: {  	s5 =	sshll.u32 s28, $0x1;
	[dreg:$0x2] =	wrdreg s3  }
0x21: {  	[dreg:$0x3] =	wrdreg s5  }
0x22: {  	[dreg:$0x4] =	wrdreg $0xC0  }
0x23: {  	_ =	task [dreg:s7], $0x5FFFF  }
0x24: {  	[dreg:$0x1] =	wrdreg $0xFFFFFFFF  }
0x25: {  	[dreg:$0x0] =	wrdreg $0x60  }
0x26: {  	[dreg:$0x2] =	wrdreg s2  }
0x27: {  	[dreg:$0x3] =	wrdreg s25  }
0x28: {  	[dreg:$0x4] =	wrdreg $0x9  }
0x29: {  	_ =	task.clear_ibuf [dreg:s7], $0x5FFFF;
	_ =	strace $0x90000046  }
0x2a: {  	s29 =	simm.s32 $0x9;
	_ =	strace $0x80000048  }
0x2b: {  	_ =	swait.ge [sflag:s29], $0x1  }
0x2c: {  	[sflag:s29] =	ssyncadd.s32 $0xFFFFFFFF  }
0x2d: {  	_ =	strace $0x90000048  }
0x2e: {  	_ =	sfence  }
0x2f: {  	s30 =	sld [smem:$0x0];
	_ =	sdelay $0x2  }
0x30: {  	s31 =	sshll.u32 s1, $0xD;
	s1 =	sshrl.u32 s1, $0x2  }
0x31: {  	s3 =	sand.u32 $0x4000, s31;
	s1 =	sadd.s32 s1, s30  }
0x32: {  	s0 =	sor.u32 s3, s0;
	s1 =	sshll.u32 s1, $0x11  }
0x33: {  	s0 =	sor.u32 s1, s0  }
0x34: {  	s0 =	sadd.s32 $0x8F2B, s0  }
0x35: {  	[sflag:s0] =	ssyncadd.remote.s32 $0x1  }
0x36: {  	_ =	sfence.sel $0xFFFF  }
0x37: {  	[dreg:$0x0] =	wrdreg $0xFFFFFFFF;
	(pc) =	sbr.abs _section_cstart, $3  }
0x38: {  	[dreg:$0x1] =	wrdreg $0xFFFFFFFF  }
0x39: {  	_ =	task.clear_ibuf [dreg:s7], $0x2FFFF;
	_ =	strace $0x9FFFFFFF  }
0x3a: {  	(tm) =	ssettm $0x7FFFFFFF  }
0x3b: {  	_ =	shalt  }
tec
execute0_lowered:
.L_overlay_start_1:
0x0: {  	(tag) =	ssettag $0x1  }
0x1: {  	s0 =	stileid.u32;
	s1 =	srdreg.scid  }
0x2: {  	s3 =	rddreg [dreg:$0x0];
	s2 =	sshll.u32 s0, $0x4;
	s1 =	sshll.u32 s1, $0x8  }
0x3: {  	s5 =	rddreg [dreg:$0x1];
	s6 =	simm.s32 $0x1;
	s1 =	sor.u32 s2, s1  }
0x4: {  	s8 =	simm.s32 $0x2;
	s15 =	simm.s32 $0x0;
	s2 =	sand.u32 $0x180, s1  }
0x5: {  	s9 =	simm.s32 $0x8000;
	s14 =	simm.s32 $0x0;
	s4 =	ssub.s32 $0x1000, s2  }
0x6: {  	s16 =	simm.s32 $0x0;
	s10 =	simm.s32 $0x0;
	s31 =	sand.u32 $0x180, s4  }
0x7: {  	s13 =	simm.s32 $0x0;
	s7 =	sand.u32 $0x7, s0;
	p0 =	sne.s32 s31, $0x0  }
.Ltmp0:
0x8: {  	s4 =	sshrl.u32 s4, $0x9;
	s6 =	simm.s32 @!p0 $0x0;
	(pc) =	sbr.rel .LBB1_1-.Ltmp0, $4  }
0x9: {  	s1 =	rddreg [dreg:$0x2];
	_ =	strace $0x80000047;
	s6 =	sadd.s32 s6, s4  }
0xa: {  	s4 =	sadd.s32 $0xE00, s5;
	s5 =	simm.s32 $0x1;
	s6 =	smul.u32 $0x6, s6  }
0xb: {  	s12 =	smov.u32 s7;
	s11 =	smov.u32 s2;
	[sflag:s5] =	ssyncpa.u1 $0x0  }
0xc: {  	p0 =	por $0x0, $0x0;
	[sflag:s8] =	ssyncpa.u1 $0x0;
	s8 =	sor.u32 $0x1, s6  }
.LBB1_4:
0xd: {  	v5 =	vld [tilespmem:s20+$0xFFFFFFD0];
	[tilespmem:s19+$0x2040 ss:$0x81] =	vst.msk $0xffff, v4  }
0xe: {  	s22 =	sshll.u32 s15, $0xC;
	s23 =	sshll.u32 s14, $0x3;
	v58 =	vld [tilespmem:s20+$0xFFFFFFE0];
	[tilespmem:s19+$0x2850 ss:$0x81] =	vst.msk $0xffff, v3  }
0xf: {  	s21 =	sshra.s32 s21, $0x2;
	v59 =	vld [tilespmem:s20+$0xFFFFFFF0];
	[tilespmem:s19+$0x3060 ss:$0x81] =	vst.msk $0xffff, v2;
	s22 =	sand.u32 $0xFFFF8000, s22;
	s24 =	sand.u32 $0xFFFFFC00, s23  }
0x10: {  	v60 =	vld [tilespmem:s20+$0x0];
	[tilespmem:s19+$0x0 ss:$0x81] =	vst.msk $0xffff, v0;
	s18 =	sadd.s32 s21, s18;
	s22 =	sadd.s32 s24, s22  }
0x11: {  	v61 =	vld [tilespmem:s20+$0x10];
	[tilespmem:s18+$0x3870 ss:$0x81] =	vst.msk $0xffff, v1;
	s26 =	sshrl.u32 s22, $0xC  }
0x12: {  	v62 =	vld [tilespmem:s20+$0x20];
	s28 =	sand.u32 $0x78, s14;
	s27 =	smulhi.u32 $0x555556, s26;
	[tilespmem:s18+$0x810 ss:$0x81] =	vst.msk $0xffff, v5  }
0x13: {  	v63 =	vld [tilespmem:s20+$0xFFFFFFC0];
	s29 =	sshll.u32 s15, $0x7;
	s16 =	smul.u32 $0x60000, s16;
	s30 =	sand.u32 $0xC00, s23;
	[tilespmem:s18+$0x1020 ss:$0x81] =	vst.msk $0xffff, v58  }
0x14: {  	s15 =	sand.u32 $0x380, s29;
	s20 =	sor.u32 s28, s30;
	[tilespmem:s18+$0x1830 ss:$0x81] =	vst.msk $0xffff, v59;
	s21 =	smul.u32 $0x300, s27  }
0x15: {  	s31 =	sand.u32 $0x7, s14;
	s15 =	sor.u32 s15, s20;
	[tilespmem:s18+$0x2040 ss:$0x81] =	vst.msk $0xffff, v60  }
0x16: {  	s16 =	sadd.s32 s4, s16;
	s15 =	sshrl.u32 s15, $0x3;
	[tilespmem:s18+$0x2850 ss:$0x81] =	vst.msk $0xffff, v61;
	s19 =	ssub.s32 s26, s21  }
0x17: {  	s14 =	sshll.u32 s31, $0x12;
	[tilespmem:s18+$0x3060 ss:$0x81] =	vst.msk $0xffff, v62;
	s15 =	sadd.s32 s15, s16;
	s19 =	sshll.u32 s19, $0x9  }
0x18: {  	s14 =	sor.u32 $0x400, s14;
	[tilespmem:s18+$0x0 ss:$0x81] =	vst.msk $0xffff, v63;
	s15 =	sadd.s32 s19, s15  }
0x19: {  	[hbm4b:s15+s14] =	stream.strided.scatter [tilespmem:s17], [sflag:$0x2], $0x4000, s9, s14, $0x20;
	[tilespmem:$0x10100] =	vst v63  }
.LBB1_5:
0x1a: {  	s17 =	sadd.s32 $0x80, s10  }
0x1b: {  	s14 =	sadd.s32 $0x200, s11;
	s18 =	smov.u32 s11;
	p2 =	sgt.s32 s17, $0x2FF  }
0x1c: {  	s18 =	smov.u32 @p2 s14  }
0x1d: {  	s20 =	smov.u32 s12;
	s14 =	sadd.s32 $0x8, s12;
	p3 =	sgt.s32 s18, $0xFFF  }
0x1e: {  	s20 =	smov.u32 @p3 s14  }
0x1f: {  	s17 =	simm.s32 @p2 $0x0;
	p2 =	sgt.s32 s20, $0x7  }
0x20: {  	p1 =	slt.u32 s13, $0x2;
	s20 =	smov.u32 @p2 s7;
	p2 =	sne.s32 s13, s8  }
.Ltmp1:
0x21: {  	s19 =	simm.s32 @!p1 $0x2;
	(pc) =	sbr.rel @!p2 .LBB1_6-.Ltmp1, $4  }
0x22: {  	s15 =	smov.u32 s10;
	s16 =	smov.u32 s12;
	_ =	swait.ge @!p1 [sflag:s19], $0x4000  }
0x23: {  	p0 =	por !p0, !p0;
	[sflag:s19] =	ssyncset.done @!p1 $0x0;
	s10 =	smov.u32 s17  }
0x24: {  	s18 =	smov.u32 @p3 s2;
	s14 =	smov.u32 s11;
	[sflag:s19] =	ssyncadd.s32 @!p1 $0xFFFFC000  }
0x25: {  	s11 =	smov.u32 s18;
	s13 =	sadd.s32 $0x1, s13;
	s12 =	smov.u32 s20  }
.LBB1_1:
0x26: {  	p1 =	sge.u32 s13, s6  }
0x27: {  	s17 =	sshrl.u32 @!p1 s11, $0x3  }
0x28: {  	s18 =	sshll.u32 @!p1 s10, $0x3;
	s17 =	smul.u32 @!p1 $0x1800, s17  }
0x29: {  	s19 =	sshll.u32 @!p1 s11, $0x7;
	s18 =	sand.u32 @!p1 $0xFFFFFC00, s18  }
0x2a: {  	s17 =	sadd.s32 @!p1 s17, s18;
	s18 =	sand.u32 @!p1 $0x380, s19  }
0x2b: {  	s19 =	sand.u32 @!p1 $0x7F, s10;
	s17 =	sor.u32 @!p1 s18, s17  }
0x2c: {  	s18 =	sor.u32 @!p1 s19, s17  }
0x2d: {  	s19 =	smulhi.u32 @!p1 $0xAAAAAAAB, s18  }
0x2e: {  	s17 =	smulhi.u32 @!p1 $0xAAAAAAAB, s17  }
0x2f: {  	s19 =	sshrl.u32 @!p1 s19, $0x9  }
0x30: {  	s31 =	sadd.s32 $0xFFFFFFFF, s13;
	s17 =	sshrl.u32 @!p1 s17, $0x9;
	s19 =	smul.u32 @!p1 $0x300, s19  }
0x31: {  	s20 =	sxor.u32 @!p1 $0xFFFFFFFF, s13;
	s21 =	smul.u32 @!p1 $0x60000, s12;
	s17 =	sand.u32 @!p1 $0xFFF, s17  }
0x32: {  	s20 =	sshll.u32 @!p1 s20, $0xE;
	s17 =	smul.u32 @!p1 $0x60, s17;
	s18 =	ssub.s32 @!p1 s18, s19  }
0x33: {  	s19 =	sand.u32 @!p1 $0x4000, s20;
	s20 =	sadd.s32 @!p1 s3, s21;
	s21 =	sand.u32 @!p1 $0x7, s18  }
0x34: {  	s18 =	sshrl.u32 @!p1 s18, $0x3;
	s17 =	sadd.s32 @!p1 s17, s20;
	s20 =	sshll.u32 @!p1 s21, $0x12  }
0x35: {  	s17 =	sadd.s32 @!p1 s18, s17;
	s18 =	sor.u32 @!p1 $0x400, s20;
	s20 =	simm.s32 @!p1 $0x1800  }
0x36: {  	[tilespmem:s19], [sflag:$0x1] =	stream.strided.gather @!p1 [hbm4b:s17+s18], $0x4000, s20, s18, $0x38;
	[tilespmem:$0x10100] =	vst v63  }
0x37: {  	p1 =	sge.u32 s31, s6  }
.Ltmp2:
0x38: {  	_ = 	snop;
	(pc) =	sbr.rel @p1 .LBB1_5-.Ltmp2, $1  }
0x39: {  	_ =	sdelay $0x3  }
0x3a: {  	s17 =	simm.s32 $0x1  }
0x3b: {  	_ =	swait.ge [sflag:s5], $0x4000;
	s17 =	simm.s32 @!p0 $0x0  }
0x3c: {  	[sflag:s5] =	ssyncset.done $0x0;
	s18 =	sshll.u32 s17, $0xE  }
0x3d: {  	[sflag:s5] =	ssyncadd.s32 $0xFFFFC000;
	s20 =	sor.u32 $0x40, s18  }
0x3e: {  	s17 =	smul.u32 $0x10200, s17;
	v0 =	vld [tilespmem:s20+$0x30]  }
0x3f: {  	v1 =	vld [tilespmem:s20+$0xFFFFFFD0]  }
0x40: {  	s17 =	sshrl.u32 s17, $0x2;
	v5 =	vld [tilespmem:s20+$0xFFFFFFE0]  }
0x41: {  	v6 =	vld [tilespmem:s20+$0xFFFFFFF0];
	s18 =	sor.u32 $0x8000, s17  }
0x42: {  	s31 =	sand.u32 $0x1, s13;
	v4 =	vld [tilespmem:s20+$0x0];
	s19 =	sadd.s32 $0x0, s18  }
0x43: {  	v3 =	vld [tilespmem:s20+$0x10];
	s17 =	smul.u32 $0x10200, s31;
	[tilespmem:s19+$0x3870 ss:$0x81] =	vst.msk $0xffff, v0  }
0x44: {  	v2 =	vld [tilespmem:s20+$0x20];
	[tilespmem:s19+$0x810 ss:$0x81] =	vst.msk $0xffff, v1  }
0x45: {  	s17 =	sshrl.u32 s17, $0x2;
	v0 =	vld [tilespmem:s20+$0xFFFFFFC0];
	[tilespmem:s19+$0x1020 ss:$0x81] =	vst.msk $0xffff, v5;
	s20 =	sadd.s32 $0x80, s20  }
0x46: {  	s21 =	simm.s32 $0x4;
	s22 =	simm.s32 $0x8;
	s17 =	sor.u32 $0x8000, s17;
	[tilespmem:s19+$0x1830 ss:$0x81] =	vst.msk $0xffff, v6;
	v1 =	vld [tilespmem:s20+$0x30]  }
.LBB1_3:
0x47: {  	p1 =	sne.s32 s22, $0x1FC;
	v5 =	vld [tilespmem:s20+$0xFFFFFFD0];
	[tilespmem:s19+$0x2040 ss:$0x81] =	vst.msk $0xffff, v4  }
0x48: {  	v6 =	vld [tilespmem:s20+$0xFFFFFFE0];
	[tilespmem:s19+$0x2850 ss:$0x81] =	vst.msk $0xffff, v3  }
0x49: {  	s23 =	sshra.s32 s21, $0x2;
	s21 =	smov.u32 s22;
	v7 =	vld [tilespmem:s20+$0xFFFFFFF0];
	[tilespmem:s19+$0x3060 ss:$0x81] =	vst.msk $0xffff, v2  }
.Ltmp3:
0x4a: {  	v4 =	vld [tilespmem:s20+$0x0];
	[tilespmem:s19+$0x0 ss:$0x81] =	vst.msk $0xffff, v0;
	s19 =	sadd.s32 s23, s18;
	(pc) =	sbr.rel @p1 .LBB1_3-.Ltmp3, $4  }
0x4b: {  	v3 =	vld [tilespmem:s20+$0x10];
	[tilespmem:s19+$0x3870 ss:$0x81] =	vst.msk $0xffff, v1  }
0x4c: {  	[tilespmem:s19+$0x810 ss:$0x81] =	vst.msk $0xffff, v5;
	v2 =	vld [tilespmem:s20+$0x20]  }
0x4d: {  	v0 =	vld [tilespmem:s20+$0xFFFFFFC0];
	[tilespmem:s19+$0x1020 ss:$0x81] =	vst.msk $0xffff, v6;
	s20 =	sadd.s32 $0x80, s20  }
0x4e: {  	s22 =	sadd.s32 $0x4, s22;
	v1 =	vld [tilespmem:s20+$0x30];
	[tilespmem:s19+$0x1830 ss:$0x81] =	vst.msk $0xffff, v7  }
.Ltmp4:
0x4f: {  	_ = 	snop;
	(pc) =	sbr.rel .LBB1_4-.Ltmp4, $1  }
0x50: {  	_ =	sdelay $0x3  }
.LBB1_6:
0x51: {  	_ =	sfence.sel $0x180000  }
0x52: {  	s2 =	simm.s32 $0x1;
	[bflag:$0x0] =	sbarrier.arrive $0xFFFF  }
0x53: {  	s31 =	simm.s32 $0x2;
	[sflag:s2] =	ssyncpa.u1 $0x1  }
0x54: {  	[sflag:s31] =	ssyncpa.u1 $0x1  }
0x55: {  	p0 =	sne.s32 s0, $0x0;
	_ =	strace $0x90000047  }
0x56: {  	s0 =	sadd.s32 @!p0 $0x100000, s1;
	[bflag:$0x2] =	sbarrier.arrive $0xFFFF  }
0x57: {  	[sflag:s0] =	ssyncadd.tile.s32 @!p0 $0x1;
	_ =	shalt  }
.Lfunc_end1:
_tile_overlayer_lowered:
.L_overlay_start_2:
0x58: {  	(tag) =	ssettag $0x2  }
0x59: {  	s0 =	rddreg [dreg:$0x0];
	s2 =	stileid.u32  }
0x5a: {  	s1 =	rddreg [dreg:$0x1];
	p0 =	sne.s32 s2, $0x0  }
0x5b: {  	s3 =	rddreg [dreg:$0x2];
	[bflag:$0x3] =	sbarrier.arrive $0xFFFF;
	s2 =	simm.s32 @!p0 $0x1C01  }
0x5c: {  	[timem:s3], [sflag:s2] =	dma.local @!p0 [hbm:s0], s1  }
0x5d: {  	s0 =	simm.s32 @!p0 $0x1  }
0x5e: {  	_ =	swait.ge @!p0 [sflag:s0], s1  }
0x5f: {  	s1 =	ssub.s32 @!p0 $0x0, s1;
	[sflag:s0] =	ssyncset.done @!p0 $0x0  }
0x60: {  	[sflag:s0] =	ssyncadd.s32 @!p0 s1  }
0x61: {  	[bflag:$0x3] =	sbarrier.arrive $0xFFFF  }
0x62: {  	_ =	shalt  }

</sc_bundles>
